<compile_context>
chip_gen: v7x
topology: tpu7x:2x2x1
jax: 0.10.2.dev20260603
libtpu: 0.0.44.dev20260713+nightly
codegen_flags: <defaults>
</compile_context>

<pallas_src>
import jax
import jax.numpy as jnp
from jax import lax
from jax.experimental import pallas as pl

H, W = 64, 64


def _raster_body(px_ref, py_ref, r0_ref, r1_ref, o0_ref, o1_ref, out_ref):
    px = px_ref[0]
    py = py_ref[0]
    rowf = py / r0_ref[0] + o0_ref[0]
    colf = px / r1_ref[0] + o1_ref[0]
    row = rowf.astype(jnp.int32)
    col = colf.astype(jnp.int32)
    valid = (row >= 0) & (row < H) & (col >= 0) & (col < W)
    P = px.shape[-1]
    hh = lax.broadcasted_iota(jnp.int32, (H, 1, P), 0)
    ww = lax.broadcasted_iota(jnp.int32, (1, W, P), 1)
    rowm = hh == row.reshape(1, 1, P)
    colm = (ww == col.reshape(1, 1, P)) & valid.reshape(1, 1, P)
    out_ref[0] = (rowm & colm).astype(jnp.float32)


def kernel(x, resolution, origin):
    B, S, n2 = x.shape
    P = n2 // 2
    N = B * S
    pts = x.reshape(N, P, 2)
    px = pts[:, :, 0].reshape(N, 1, P)
    py = pts[:, :, 1].reshape(N, 1, P)
    r0 = resolution[:, :, 0].reshape(N, 1, 1)
    r1 = resolution[:, :, 1].reshape(N, 1, 1)
    o0 = origin[:, :, 0].reshape(N, 1, 1)
    o1 = origin[:, :, 1].reshape(N, 1, 1)

    vec_spec = pl.BlockSpec((1, 1, P), lambda g: (g, 0, 0))
    scl_spec = pl.BlockSpec((1, 1, 1), lambda g: (g, 0, 0))
    out = pl.pallas_call(
        _raster_body,
        grid=(N,),
        in_specs=[vec_spec, vec_spec, scl_spec, scl_spec, scl_spec, scl_spec],
        out_specs=pl.BlockSpec((1, H, W, P), lambda g: (g, 0, 0, 0)),
        out_shape=jax.ShapeDtypeStruct((N, H, W, P), jnp.float32),
    )(px, py, r0, r1, o0, o1)
    return out.reshape(B, S, H, W, P)

# --- scband reference (transcript-rebuilt; emitter-appended) ---
"""Pipeline reference for scband-raster-points-11647951307198 (READ-ONLY COPY).

The authoritative reference and input builder live on the scoring server;
editing this copy changes nothing except your own understanding.
"""

import jax, jax.numpy as jnp
import numpy as np

H, W = 64, 64

def setup_inputs(seed: int = 0) -> dict:
    key = jax.random.key(seed)
    k1, k2 = jax.random.split(key)
    x = jax.random.normal(k1, (16, 20, 32), dtype=jnp.float32)
    resolution = jnp.ones((16, 20, 2), dtype=jnp.float32)
    origin = jax.random.uniform(k2, (16, 20, 2), dtype=jnp.float32)
    return {"x": x, "resolution": resolution, "origin": origin}

def reference(x, resolution, origin):
    B, S, n2 = x.shape
    P = n2 // 2
    points = x.reshape(B, S, P, 2)
    # tf.cast float->int truncates toward zero; jnp astype matches this
    row = (points[:, :, :, 1] / resolution[:, :, 0:1] + origin[:, :, 0:1]).astype(jnp.int64).reshape(-1)
    col = (points[:, :, :, 0] / resolution[:, :, 1:2] + origin[:, :, 1:2]).astype(jnp.int64).reshape(-1)
    b_idx = jnp.repeat(jnp.arange(B, dtype=jnp.int64), S * P)
    t_idx = jnp.tile(jnp.repeat(jnp.arange(S, dtype=jnp.int64), P), B)
    p_idx = jnp.tile(jnp.arange(P, dtype=jnp.int64), B * S)
    in_b = (row >= 0) & (row < H) & (col >= 0) & (col < W)
    r_c = jnp.clip(row, 0, H - 1)
    c_c = jnp.clip(col, 0, W - 1)
    vals = in_b.astype(jnp.float32)
    out = jnp.zeros((B, S, H, W, P), dtype=jnp.float32)
    # original overwrites with 1 at valid indices; max with {0,1} values on a zero
    # buffer is equivalent and safely drops out-of-bounds (masked-to-0, clipped) writes
    out = out.at[b_idx, t_idx, r_c, c_c, p_idx].max(vals)
    return out

if __name__ == "__main__":
    import jax
    _d = setup_inputs()
    print(jax.jit(kernel)(*tuple(_d.values())))

</pallas_src>

<mosaic_0001>
module attributes {stable_mosaic.version = 14 : i64} {
  func.func @_raster_body(%arg0: i32, %arg1: memref<1x1x16xf32, #tpu.memory_space<vmem>>, %arg2: memref<1x1x16xf32, #tpu.memory_space<vmem>>, %arg3: memref<1x1x1xf32, #tpu.memory_space<vmem>>, %arg4: memref<1x1x1xf32, #tpu.memory_space<vmem>>, %arg5: memref<1x1x1xf32, #tpu.memory_space<vmem>>, %arg6: memref<1x1x1xf32, #tpu.memory_space<vmem>>, %arg7: memref<1x64x64x16xf32, #tpu.memory_space<vmem>>) attributes {dimension_semantics = [#tpu.dimension_semantics<arbitrary>], iteration_bounds = array<i64: 320>, scalar_prefetch = 0 : i64, scratch_operands = 0 : i64, tpu.core_type = #tpu.core_type<tc>, window_params = [{transform_indices = @transform_0, window_bounds = array<i64: 1, 1, 16>}, {transform_indices = @transform_1, window_bounds = array<i64: 1, 1, 16>}, {transform_indices = @transform_2, window_bounds = array<i64: 1, 1, 1>}, {transform_indices = @transform_3, window_bounds = array<i64: 1, 1, 1>}, {transform_indices = @transform_4, window_bounds = array<i64: 1, 1, 1>}, {transform_indices = @transform_5, window_bounds = array<i64: 1, 1, 1>}, {transform_indices = @transform_6, window_bounds = array<i64: 1, 64, 64, 16>}]} {
    %get3A = arith.constant 0 : index
    %get3A_0 = arith.constant 0 : index
    %get3A_1 = arith.constant 0 : index
    %get3A_2 = vector.load %arg1[%get3A, %get3A_0, %get3A_1] : memref<1x1x16xf32, #tpu.memory_space<vmem>>, vector<1x1x16xf32>
    %get3A_3 = vector.shape_cast %get3A_2 : vector<1x1x16xf32> to vector<1x16xf32>
    %get3A_4 = arith.constant 0 : index
    %get3A_5 = arith.constant 0 : index
    %get3A_6 = arith.constant 0 : index
    %get3A_7 = vector.load %arg2[%get3A_4, %get3A_5, %get3A_6] : memref<1x1x16xf32, #tpu.memory_space<vmem>>, vector<1x1x16xf32>
    %get3A_8 = vector.shape_cast %get3A_7 : vector<1x1x16xf32> to vector<1x16xf32>
    %get3A_9 = arith.constant 0 : index
    %get3A_10 = arith.constant 0 : index
    %get3A_11 = arith.constant 0 : index
    %get3A_12 = vector.load %arg3[%get3A_9, %get3A_10, %get3A_11] : memref<1x1x1xf32, #tpu.memory_space<vmem>>, vector<1x1x1xf32>
    %get3A_13 = vector.shape_cast %get3A_12 : vector<1x1x1xf32> to vector<1x1xf32>
    %div3A = vector.broadcast %get3A_13 : vector<1x1xf32> to vector<1x16xf32>
    %div3A_14 = arith.divf %get3A_8, %div3A : vector<1x16xf32>
    %get3A_15 = arith.constant 0 : index
    %get3A_16 = arith.constant 0 : index
    %get3A_17 = arith.constant 0 : index
    %get3A_18 = vector.load %arg5[%get3A_15, %get3A_16, %get3A_17] : memref<1x1x1xf32, #tpu.memory_space<vmem>>, vector<1x1x1xf32>
    %get3A_19 = vector.shape_cast %get3A_18 : vector<1x1x1xf32> to vector<1x1xf32>
    %add3A = vector.broadcast %get3A_19 : vector<1x1xf32> to vector<1x16xf32>
    %add3A_20 = arith.addf %div3A_14, %add3A : vector<1x16xf32>
    %get3A_21 = arith.constant 0 : index
    %get3A_22 = arith.constant 0 : index
    %get3A_23 = arith.constant 0 : index
    %get3A_24 = vector.load %arg4[%get3A_21, %get3A_22, %get3A_23] : memref<1x1x1xf32, #tpu.memory_space<vmem>>, vector<1x1x1xf32>
    %get3A_25 = vector.shape_cast %get3A_24 : vector<1x1x1xf32> to vector<1x1xf32>
    %div3A_26 = vector.broadcast %get3A_25 : vector<1x1xf32> to vector<1x16xf32>
    %div3A_27 = arith.divf %get3A_3, %div3A_26 : vector<1x16xf32>
    %get3A_28 = arith.constant 0 : index
    %get3A_29 = arith.constant 0 : index
    %get3A_30 = arith.constant 0 : index
    %get3A_31 = vector.load %arg6[%get3A_28, %get3A_29, %get3A_30] : memref<1x1x1xf32, #tpu.memory_space<vmem>>, vector<1x1x1xf32>
    %get3A_32 = vector.shape_cast %get3A_31 : vector<1x1x1xf32> to vector<1x1xf32>
    %add3A_33 = vector.broadcast %get3A_32 : vector<1x1xf32> to vector<1x16xf32>
    %add3A_34 = arith.addf %div3A_27, %add3A_33 : vector<1x16xf32>
    %convert_element_type3A = arith.fptosi %add3A_20 : vector<1x16xf32> to vector<1x16xi32>
    %convert_element_type3A_35 = arith.fptosi %add3A_34 : vector<1x16xf32> to vector<1x16xi32>
    %ge3A = arith.constant 0 : i32
    %ge3A_36 = vector.broadcast %ge3A : i32 to vector<1x16xi32>
    %ge3A_37 = arith.cmpi sge, %convert_element_type3A, %ge3A_36 : vector<1x16xi32>
    %lt3A = arith.constant 64 : i32
    %lt3A_38 = vector.broadcast %lt3A : i32 to vector<1x16xi32>
    %lt3A_39 = arith.cmpi slt, %convert_element_type3A, %lt3A_38 : vector<1x16xi32>
    %and3A = arith.andi %ge3A_37, %lt3A_39 : vector<1x16xi1>
    %ge3A_40 = arith.constant 0 : i32
    %ge3A_41 = vector.broadcast %ge3A_40 : i32 to vector<1x16xi32>
    %ge3A_42 = arith.cmpi sge, %convert_element_type3A_35, %ge3A_41 : vector<1x16xi32>
    %and3A_43 = arith.andi %and3A, %ge3A_42 : vector<1x16xi1>
    %lt3A_44 = arith.constant 64 : i32
    %lt3A_45 = vector.broadcast %lt3A_44 : i32 to vector<1x16xi32>
    %lt3A_46 = arith.cmpi slt, %convert_element_type3A_35, %lt3A_45 : vector<1x16xi32>
    %and3A_47 = arith.andi %and3A_43, %lt3A_46 : vector<1x16xi1>
    %iota3A = tpu.iota {dimensions = array<i32: 0>} : vector<64x1x16xi32>
    %iota3A_48 = tpu.iota {dimensions = array<i32: 1>} : vector<1x64x16xi32>
    %reshape3A = vector.shape_cast %convert_element_type3A : vector<1x16xi32> to vector<1x1x16xi32>
    %eq3A = vector.broadcast %reshape3A : vector<1x1x16xi32> to vector<64x1x16xi32>
    %eq3A_49 = arith.cmpi eq, %iota3A, %eq3A : vector<64x1x16xi32>
    %reshape3A_50 = vector.shape_cast %convert_element_type3A_35 : vector<1x16xi32> to vector<1x1x16xi32>
    %eq3A_51 = vector.broadcast %reshape3A_50 : vector<1x1x16xi32> to vector<1x64x16xi32>
    %eq3A_52 = arith.cmpi eq, %iota3A_48, %eq3A_51 : vector<1x64x16xi32>
    %reshape3A_53 = vector.shape_cast %and3A_47 : vector<1x16xi1> to vector<1x1x16xi1>
    %and3A_54 = vector.broadcast %reshape3A_53 : vector<1x1x16xi1> to vector<1x64x16xi1>
    %and3A_55 = arith.andi %eq3A_52, %and3A_54 : vector<1x64x16xi1>
    %and3A_56 = vector.broadcast %eq3A_49 : vector<64x1x16xi1> to vector<64x64x16xi1>
    %and3A_57 = vector.broadcast %and3A_55 : vector<1x64x16xi1> to vector<64x64x16xi1>
    %and3A_58 = arith.andi %and3A_56, %and3A_57 : vector<64x64x16xi1>
    %convert_element_type3A_59 = arith.extui %and3A_58 : vector<64x64x16xi1> to vector<64x64x16xi32>
    %convert_element_type3A_60 = arith.sitofp %convert_element_type3A_59 : vector<64x64x16xi32> to vector<64x64x16xf32>
    %swap3A = arith.constant 0 : index
    %swap3A_61 = arith.constant 0 : index
    %swap3A_62 = arith.constant 0 : index
    %swap3A_63 = arith.constant 0 : index
    %swap3A_64 = vector.load %arg7[%swap3A, %swap3A_61, %swap3A_62, %swap3A_63] : memref<1x64x64x16xf32, #tpu.memory_space<vmem>>, vector<1x64x64x16xf32>
    %swap3A_65 = vector.shape_cast %swap3A_64 : vector<1x64x64x16xf32> to vector<64x64x16xf32>
    %swap3A_66 = vector.shape_cast %convert_element_type3A_60 : vector<64x64x16xf32> to vector<1x64x64x16xf32>
    tpu.vector_store %arg7[%swap3A, %swap3A_61, %swap3A_62, %swap3A_63], %swap3A_66 {strides = array<i32>} : memref<1x64x64x16xf32, #tpu.memory_space<vmem>>, vector<1x64x64x16xf32>,
    return
  }
  func.func @transform_0(%arg0: i32) -> (i32, i32, i32) {
    %c0_i32 = arith.constant 0 : i32
    %c0_i32_0 = arith.constant 0 : i32
    %c0_i32_1 = arith.constant 0 : i32
    return %arg0, %c0_i32, %c0_i32_0 : i32, i32, i32
  }
  func.func @transform_1(%arg0: i32) -> (i32, i32, i32) {
    %c0_i32 = arith.constant 0 : i32
    %c0_i32_0 = arith.constant 0 : i32
    %c0_i32_1 = arith.constant 0 : i32
    return %arg0, %c0_i32, %c0_i32_0 : i32, i32, i32
  }
  func.func @transform_2(%arg0: i32) -> (i32, i32, i32) {
    %c0_i32 = arith.constant 0 : i32
    %c0_i32_0 = arith.constant 0 : i32
    %c0_i32_1 = arith.constant 0 : i32
    return %arg0, %c0_i32, %c0_i32_0 : i32, i32, i32
  }
  func.func @transform_3(%arg0: i32) -> (i32, i32, i32) {
    %c0_i32 = arith.constant 0 : i32
    %c0_i32_0 = arith.constant 0 : i32
    %c0_i32_1 = arith.constant 0 : i32
    return %arg0, %c0_i32, %c0_i32_0 : i32, i32, i32
  }
  func.func @transform_4(%arg0: i32) -> (i32, i32, i32) {
    %c0_i32 = arith.constant 0 : i32
    %c0_i32_0 = arith.constant 0 : i32
    %c0_i32_1 = arith.constant 0 : i32
    return %arg0, %c0_i32, %c0_i32_0 : i32, i32, i32
  }
  func.func @transform_5(%arg0: i32) -> (i32, i32, i32) {
    %c0_i32 = arith.constant 0 : i32
    %c0_i32_0 = arith.constant 0 : i32
    %c0_i32_1 = arith.constant 0 : i32
    return %arg0, %c0_i32, %c0_i32_0 : i32, i32, i32
  }
  func.func @transform_6(%arg0: i32) -> (i32, i32, i32, i32) {
    %c0_i32 = arith.constant 0 : i32
    %c0_i32_0 = arith.constant 0 : i32
    %c0_i32_1 = arith.constant 0 : i32
    %c0_i32_2 = arith.constant 0 : i32
    return %arg0, %c0_i32, %c0_i32_0, %c0_i32_1 : i32, i32, i32, i32
  }
}

</mosaic_0001>

<sc_bundles>
// kernel: sparse-core-data-format-call.cloned.1.call-start
scs
called_computation_lowered:
.L_overlay_start_0:
0x0: {  	s2 =	sld [smem:$0x3FD9]  }
0x1: {  	s3 =	sld [smem:$0x3FFE];
	_ =	sdelay $0x1  }
0x2: {  	s1 =	srdreg.scid  }
0x3: {  	s0 =	sand.u32 $0x1, s1  }
0x4: {  	s18 =	sshll.u32 s0, $0xA;
	s2 =	sadd.s32 s3, s2  }
0x5: {  	s2 =	sadd.s32 s2, s18  }
0x6: {  	[smem:$0x3FC5] =	sst s2  }
0x7: {  	_ = 	snop  }
0x8: {  	s2 =	sld [smem:$0x3FD0];
	(tm) =	ssettm $0x1  }
0x9: {  	s19 =	sld [smem:$0x3FFB];
	_ =	sdelay $0x3  }
0xa: {  	_ =	strace s19  }
0xb: {  	s3 =	sld [smem:$0x3FFC];
	_ =	sdelay $0x3  }
0xc: {  	_ =	strace s3  }
0xd: {  	s3 =	sld [smem:$0x3FFD];
	_ =	sdelay $0x3  }
0xe: {  	_ =	strace s3  }
0xf: {  	_ =	strace $0x8FFFFFFF  }
0x10: {  	s20 =	sld [smem:$0x3FDB];
	_ =	sdelay $0x1  }
0x11: {  	s4 =	simm.s32 $_scs_section_size  }
0x12: {  	s5 =	simm.s32 $_size__tile_overlayer_lowered;
	s6 =	simm.s32 $_tile_overlayer_lowered  }
0x13: {  	s23 =	simm.s32 $0x1BFF;
	s22 =	sshll.u32 s6, $0x1;
	s3 =	sadd.s32 s4, s20  }
0x14: {  	s7 =	simm.s32 $0x0;
	s21 =	sshll.u32 s5, $0x1;
	s5 =	sadd.s32 s22, s3  }
0x15: {  	[timem:s7], [sflag:s23] =	dma.local [hbm:s5], s21  }
0x16: {  	_ =	swait.ge [sflag:s23], s21  }
0x17: {  	s4 =	ssub.s32 $0x0, s21;
	[sflag:s23] =	ssyncset.done $0x0  }
0x18: {  	[sflag:s23] =	ssyncadd.s32 s4;
	_ =	sdelay $0x1  }
0x19: {  	s24 =	simm.s32 $0x1B8B  }
0x1a: {  	_ =	swait.ge [sflag:s24], $0x1  }
0x1b: {  	[sflag:s24] =	ssyncset.done $0x0  }
0x1c: {  	s26 =	simm.s32 $0x1B8E;
	s25 =	sld [smem:$0x3FFE];
	[sflag:s24] =	ssyncadd.s32 $0xFFFFFFFF  }
0x1d: {  	s27 =	simm.s32 $execute0_lowered;
	[smem:$0x3FD2] =	sst s26  }
0x1e: {  	s5 =	sshll.u32 s27, $0x1;
	_ =	strace $0x80000046;
	[dreg:$0x1] =	wrdreg $0xFFFFFFFF  }
0x1f: {  	s28 =	simm.s32 $_size_execute0_lowered;
	s3 =	sadd.s32 s3, s5;
	[dreg:$0x0] =	wrdreg $0x0  }
0x20: {  	s5 =	sshll.u32 s28, $0x1;
	[dreg:$0x2] =	wrdreg s3  }
0x21: {  	[dreg:$0x3] =	wrdreg s5  }
0x22: {  	[dreg:$0x4] =	wrdreg $0xC0  }
0x23: {  	_ =	task [dreg:s7], $0x5FFFF  }
0x24: {  	[dreg:$0x1] =	wrdreg $0xFFFFFFFF  }
0x25: {  	[dreg:$0x0] =	wrdreg $0x60  }
0x26: {  	[dreg:$0x2] =	wrdreg s25  }
0x27: {  	[dreg:$0x3] =	wrdreg s2  }
0x28: {  	[dreg:$0x4] =	wrdreg $0x9  }
0x29: {  	_ =	task.clear_ibuf [dreg:s7], $0x5FFFF;
	_ =	strace $0x90000046  }
0x2a: {  	s29 =	simm.s32 $0x9;
	_ =	strace $0x80000048  }
0x2b: {  	_ =	swait.ge [sflag:s29], $0x1  }
0x2c: {  	[sflag:s29] =	ssyncadd.s32 $0xFFFFFFFF  }
0x2d: {  	_ =	strace $0x90000048  }
0x2e: {  	_ =	sfence  }
0x2f: {  	s30 =	sld [smem:$0x0];
	_ =	sdelay $0x2  }
0x30: {  	s31 =	sshll.u32 s1, $0xD;
	s1 =	sshrl.u32 s1, $0x2  }
0x31: {  	s3 =	sand.u32 $0x4000, s31;
	s1 =	sadd.s32 s1, s30  }
0x32: {  	s0 =	sor.u32 s3, s0;
	s1 =	sshll.u32 s1, $0x11  }
0x33: {  	s0 =	sor.u32 s1, s0  }
0x34: {  	s0 =	sadd.s32 $0x8F2B, s0  }
0x35: {  	[sflag:s0] =	ssyncadd.remote.s32 $0x1  }
0x36: {  	_ =	sfence.sel $0xFFFF  }
0x37: {  	[dreg:$0x0] =	wrdreg $0xFFFFFFFF;
	(pc) =	sbr.abs _section_cstart, $3  }
0x38: {  	[dreg:$0x1] =	wrdreg $0xFFFFFFFF  }
0x39: {  	_ =	task.clear_ibuf [dreg:s7], $0x2FFFF;
	_ =	strace $0x9FFFFFFF  }
0x3a: {  	(tm) =	ssettm $0x7FFFFFFF  }
0x3b: {  	_ =	shalt  }
tec
execute0_lowered:
.L_overlay_start_1:
0x0: {  	(tag) =	ssettag $0x1  }
0x1: {  	s2 =	rddreg [dreg:$0x0]  }
0x2: {  	s0 =	srdreg.scid;
	s3 =	rddreg [dreg:$0x1]  }
0x3: {  	s7 =	simm.s32 $0x2;
	s14 =	simm.s32 $0x0;
	s0 =	sshll.u32 s0, $0x4  }
0x4: {  	p0 =	por $0x0, $0x0;
	s8 =	simm.s32 $0x40;
	s1 =	sand.u32 $0x10, s0  }
0x5: {  	s9 =	simm.s32 $0x80;
	s15 =	simm.s32 $0x0;
	s0 =	ssub.s32 $0x40, s1  }
0x6: {  	s16 =	simm.s32 $0x0;
	s11 =	simm.s32 $0x0;
	s4 =	sshrl.u32 s0, $0x4  }
.Ltmp0:
0x7: {  	s5 =	sshrl.u32 s0, $0x5;
	s4 =	sand.u32 $0x1, s4;
	(pc) =	sbr.rel .LBB1_1-.Ltmp0, $4  }
0x8: {  	s12 =	stileid.u32;
	s0 =	rddreg [dreg:$0x2];
	s4 =	sadd.s32 s5, s4  }
0x9: {  	_ =	strace $0x80000047;
	s5 =	simm.s32 $0x1;
	s6 =	smul.u32 $0x14, s4  }
0xa: {  	s13 =	simm.s32 $0x0;
	s10 =	smov.u32 s1;
	[sflag:s5] =	ssyncpa.u1 $0x0  }
0xb: {  	s4 =	stileid.u32;
	[sflag:s7] =	ssyncpa.u1 $0x0;
	s7 =	sor.u32 $0x1, s6  }
.LBB1_7:
0xc: {  	s17 =	sadd.s32 $0x20, s10  }
0xd: {  	s14 =	simm.s32 $0x1;
	p2 =	sgt.s32 s17, $0x3F  }
0xe: {  	s14 =	simm.s32 @!p2 $0x0  }
0xf: {  	s18 =	sadd.s32 s14, s11  }
0x10: {  	s20 =	smov.u32 s12;
	s14 =	sadd.s32 $0x10, s12;
	p3 =	sgt.s32 s18, $0x13  }
0x11: {  	s20 =	smov.u32 @p3 s14  }
0x12: {  	p1 =	slt.u32 s13, $0x2;
	s17 =	smov.u32 @p2 s1;
	p2 =	sgt.s32 s20, $0xF  }
0x13: {  	s19 =	simm.s32 @!p1 $0x2;
	s20 =	smov.u32 @p2 s4;
	p2 =	sne.s32 s13, s7  }
.Ltmp1:
0x14: {  	_ =	swait.ge @!p1 [sflag:s19], $0x4000;
	(pc) =	sbr.rel @!p2 .LBB1_8-.Ltmp1, $4  }
0x15: {  	s15 =	smov.u32 s11;
	[sflag:s19] =	ssyncset.done @!p1 $0x0  }
0x16: {  	s16 =	smov.u32 s12;
	p0 =	por !p0, !p0;
	[sflag:s19] =	ssyncadd.s32 @!p1 $0xFFFFC000  }
0x17: {  	s18 =	simm.s32 @p3 $0x0;
	s14 =	smov.u32 s10;
	s10 =	smov.u32 s17  }
0x18: {  	s11 =	smov.u32 s18;
	s13 =	sadd.s32 $0x1, s13;
	s12 =	smov.u32 s20  }
.LBB1_1:
0x19: {  	p1 =	sge.u32 s13, s6  }
0x1a: {  	s17 =	smul.u32 @!p1 $0x140000, s12  }
0x1b: {  	s31 =	sadd.s32 $0xFFFFFFFF, s13;
	s18 =	sxor.u32 @!p1 $0xFFFFFFFF, s13  }
0x1c: {  	s19 =	sshll.u32 @!p1 s11, $0x10;
	s18 =	sshll.u32 @!p1 s18, $0xE;
	s17 =	sadd.s32 @!p1 s2, s17  }
0x1d: {  	s20 =	sshll.u32 @!p1 s10, $0xA;
	s18 =	sand.u32 @!p1 $0x4000, s18;
	s17 =	sadd.s32 @!p1 s19, s17  }
0x1e: {  	s19 =	simm.s32 @!p1 $0x10;
	s17 =	sadd.s32 @!p1 s20, s17;
	s20 =	simm.s32 @!p1 $0x80  }
0x1f: {  	[tilespmem:s18], [sflag:$0x1] =	stream.strided.gather @!p1 [hbm4b:s17+s19], $0x4000, s20, s19, $0x38;
	[tilespmem:$0x10200] =	vst v63  }
0x20: {  	p1 =	sge.u32 s31, s6  }
.Ltmp2:
0x21: {  	_ = 	snop;
	(pc) =	sbr.rel @p1 .LBB1_7-.Ltmp2, $1  }
0x22: {  	_ =	sdelay $0x3  }
0x23: {  	s17 =	simm.s32 $0x1;
	s19 =	sand.u32 $0x1, s13  }
0x24: {  	_ =	swait.ge [sflag:s5], $0x4000;
	s17 =	simm.s32 @!p0 $0x0;
	s20 =	smul.u32 $0x10400, s19  }
0x25: {  	[sflag:s5] =	ssyncset.done $0x0;
	s18 =	smul.u32 $0x10400, s17  }
0x26: {  	s17 =	sshll.u32 s17, $0xE;
	[sflag:s5] =	ssyncadd.s32 $0xFFFFC000  }
0x27: {  	s19 =	sor.u32 $0x40, s17;
	s31 =	sshrl.u32 s20, $0x2;
	s18 =	sshrl.u32 s18, $0x2  }
0x28: {  	s20 =	simm.s32 $0x0;
	s17 =	sor.u32 $0x8000, s31;
	s18 =	sor.u32 $0x8007, s18  }
.LBB1_3:
0x29: {  	v3 =	vld [tilespmem:s19+$0x30]  }
0x2a: {  	v4 =	vld [tilespmem:s19+$0xFFFFFFD0]  }
0x2b: {  	v5 =	vld [tilespmem:s19+$0xFFFFFFE0]  }
0x2c: {  	v1 =	vld [tilespmem:s19+$0xFFFFFFF0]  }
0x2d: {  	v0 =	vld [tilespmem:s19+$0x0]  }
0x2e: {  	v2 =	vld [tilespmem:s19+$0x10];
	[tilespmem:s18+$0x0 ss:$0x41] =	vst.msk $0xffff, v3  }
0x2f: {  	[tilespmem:s18+$0xFFFFFFFA ss:$0x41] =	vst.msk $0xffff, v4;
	v4 =	vld [tilespmem:s19+$0x20]  }
0x30: {  	s22 =	simm.s32 $0x0;
	s23 =	sadd.s32 $0x80, s19;
	s21 =	smov.u32 s18;
	v3 =	vld [tilespmem:s19+$0xFFFFFFC0];
	[tilespmem:s18+$0xFFFFFFFB ss:$0x41] =	vst.msk $0xffff, v5  }
.LBB1_4:
0x31: {  	v5 =	vld [tilespmem:s23+$0x30];
	s22 =	sadd.s32 $0x8, s22;
	[tilespmem:s21+$0xFFFFFFFC ss:$0x41] =	vst.msk $0xffff, v1  }
0x32: {  	v6 =	vld [tilespmem:s23+$0xFFFFFFD0];
	p1 =	slt.u32 s22, $0x38;
	[tilespmem:s21+$0xFFFFFFFD ss:$0x41] =	vst.msk $0xffff, v0  }
0x33: {  	v7 =	vld [tilespmem:s23+$0xFFFFFFE0];
	[tilespmem:s21+$0xFFFFFFFE ss:$0x41] =	vst.msk $0xffff, v2  }
.Ltmp3:
0x34: {  	v1 =	vld [tilespmem:s23+$0xFFFFFFF0];
	[tilespmem:s21+$0xFFFFFFFF ss:$0x41] =	vst.msk $0xffff, v4;
	(pc) =	sbr.rel @p1 .LBB1_4-.Ltmp3, $4  }
0x35: {  	v0 =	vld [tilespmem:s23+$0x0];
	[tilespmem:s21+$0xFFFFFFF9 ss:$0x41] =	vst.msk $0xffff, v3;
	s21 =	sadd.s32 $0x8, s21  }
0x36: {  	v2 =	vld [tilespmem:s23+$0x10];
	[tilespmem:s21+$0x0 ss:$0x41] =	vst.msk $0xffff, v5  }
0x37: {  	[tilespmem:s21+$0xFFFFFFFA ss:$0x41] =	vst.msk $0xffff, v6;
	v4 =	vld [tilespmem:s23+$0x20]  }
0x38: {  	v3 =	vld [tilespmem:s23+$0xFFFFFFC0];
	[tilespmem:s21+$0xFFFFFFFB ss:$0x41] =	vst.msk $0xffff, v7;
	s23 =	sadd.s32 $0x80, s23  }
0x39: {  	s20 =	sadd.s32 $0x1, s20  }
0x3a: {  	p1 =	sne.s32 s20, $0x10  }
.Ltmp4:
0x3b: {  	[tilespmem:s21+$0xFFFFFFFC ss:$0x41] =	vst.msk $0xffff, v1;
	(pc) =	sbr.rel @p1 .LBB1_3-.Ltmp4, $4  }
0x3c: {  	[tilespmem:s21+$0xFFFFFFFD ss:$0x41] =	vst.msk $0xffff, v0  }
0x3d: {  	[tilespmem:s21+$0xFFFFFFFE ss:$0x41] =	vst.msk $0xffff, v2  }
0x3e: {  	[tilespmem:s21+$0xFFFFFFFF ss:$0x41] =	vst.msk $0xffff, v4  }
0x3f: {  	s18 =	sadd.s32 $0x410, s18;
	s19 =	sadd.s32 $0x400, s19;
	[tilespmem:s21+$0xFFFFFFF9 ss:$0x41] =	vst.msk $0xffff, v3  }
0x40: {  	s16 =	smul.u32 $0x50000, s16  }
.Ltmp5:
0x41: {  	_ = 	snop;
	(pc) =	sbr.rel .LBB1_7-.Ltmp5, $4  }
0x42: {  	s15 =	sshll.u32 s15, $0xE;
	s16 =	sadd.s32 s3, s16  }
0x43: {  	s14 =	sshll.u32 s14, $0x8;
	s15 =	sadd.s32 s15, s16  }
0x44: {  	s14 =	sadd.s32 s14, s15  }
0x45: {  	[hbm4b:s14+s8] =	stream.strided.scatter [tilespmem:s17], [sflag:$0x2], $0x4000, s9, s8, $0x18;
	[tilespmem:$0x10200] =	vst v63  }
.LBB1_8:
0x46: {  	_ =	sfence.sel $0x180000  }
0x47: {  	s1 =	simm.s32 $0x1;
	[bflag:$0x0] =	sbarrier.arrive $0xFFFF  }
0x48: {  	s31 =	simm.s32 $0x2;
	[sflag:s1] =	ssyncpa.u1 $0x1  }
0x49: {  	[sflag:s31] =	ssyncpa.u1 $0x1  }
0x4a: {  	p0 =	sne.s32 s4, $0x0;
	_ =	strace $0x90000047  }
0x4b: {  	s0 =	sadd.s32 @!p0 $0x100000, s0;
	[bflag:$0x2] =	sbarrier.arrive $0xFFFF  }
0x4c: {  	[sflag:s0] =	ssyncadd.tile.s32 @!p0 $0x1;
	_ =	shalt  }
.Lfunc_end1:
_tile_overlayer_lowered:
.L_overlay_start_2:
0x4d: {  	(tag) =	ssettag $0x2  }
0x4e: {  	s0 =	rddreg [dreg:$0x0];
	s2 =	stileid.u32  }
0x4f: {  	s1 =	rddreg [dreg:$0x1];
	p0 =	sne.s32 s2, $0x0  }
0x50: {  	s3 =	rddreg [dreg:$0x2];
	[bflag:$0x3] =	sbarrier.arrive $0xFFFF;
	s2 =	simm.s32 @!p0 $0x1C01  }
0x51: {  	[timem:s3], [sflag:s2] =	dma.local @!p0 [hbm:s0], s1  }
0x52: {  	s0 =	simm.s32 @!p0 $0x1  }
0x53: {  	_ =	swait.ge @!p0 [sflag:s0], s1  }
0x54: {  	s1 =	ssub.s32 @!p0 $0x0, s1;
	[sflag:s0] =	ssyncset.done @!p0 $0x0  }
0x55: {  	[sflag:s0] =	ssyncadd.s32 @!p0 s1  }
0x56: {  	[bflag:$0x3] =	sbarrier.arrive $0xFFFF  }
0x57: {  	_ =	shalt  }

</sc_bundles>
